<compile_context>
chip_gen: v7x
topology: tpu7x:2x2x1
jax: 0.10.2.dev20260603
libtpu: 0.0.44.dev20260713+nightly
codegen_flags: <defaults>
</compile_context>

<pallas_src>
import jax
import jax.numpy as jnp
from jax import lax
from jax.experimental import pallas as pl
from jax.experimental.pallas import tpu as pltpu
from jax.experimental.pallas import tpu_sc as plsc

ROWS = 16384
COLS = 2048
LANES_SC = 16
NSUB = ROWS * COLS // LANES_SC
NUM_WORKERS = 32
SUBS_PER_W = NSUB // NUM_WORKERS
CHUNK_SUBS = 2048
N_CHUNKS = SUBS_PER_W // CHUNK_SUBS


def _sc_read(in_hbm, out_hbm, idx_v, dst_v, sem):
    c = lax.axis_index("c")
    s = lax.axis_index("s")
    wid = s * 2 + c
    base = wid * SUBS_PER_W
    iota = lax.iota(jnp.int32, LANES_SC)

    def chunk_body(ci, carry):
        off = base + ci * CHUNK_SUBS

        @plsc.parallel_loop(0, CHUNK_SUBS // LANES_SC, unroll=8)
        def _(j):
            idx_v[pl.ds(j * LANES_SC, LANES_SC)] = (off + j * LANES_SC) + iota

        pltpu.async_copy(in_hbm.at[idx_v], dst_v, sem).wait()
        return carry

    lax.fori_loop(0, N_CHUNKS, chunk_body, 0)
    pltpu.sync_copy(dst_v, out_hbm.at[pl.ds(base, CHUNK_SUBS)])


def kernel(inputs, cond_inputs):
    flat_in = inputs.reshape(NSUB, LANES_SC)
    mesh = plsc.VectorSubcoreMesh(core_axis_name="c", subcore_axis_name="s")
    f = pl.kernel(
        _sc_read,
        mesh=mesh,
        out_type=jax.ShapeDtypeStruct((NSUB, LANES_SC), jnp.float32),
        compiler_params=pltpu.CompilerParams(
            needs_layout_passes=False, use_tc_tiling_on_sc=False
        ),
        scratch_types=[
            pltpu.VMEM((CHUNK_SUBS,), jnp.int32),
            pltpu.VMEM((CHUNK_SUBS, LANES_SC), jnp.float32),
            pltpu.SemaphoreType.DMA,
        ],
    )
    out = f(flat_in)
    return (out.reshape(ROWS, COLS), 0.0)

# --- scband reference (transcript-rebuilt; emitter-appended) ---
"""Pipeline reference for scband-permutation-56822417326820 (READ-ONLY COPY).

The authoritative reference and input builder live on the scoring server;
editing this copy changes nothing except your own understanding.
"""

import jax, jax.numpy as jnp
import numpy as np

IN_FEATURES = 2048

def setup_inputs(seed: int = 0) -> dict:
    key = jax.random.key(seed)
    k1, k2 = jax.random.split(key)
    inputs = jax.random.normal(k1, (16384, IN_FEATURES), dtype=jnp.float32)
    cond_inputs = jax.random.normal(k2, (16384, IN_FEATURES), dtype=jnp.float32)
    return {"inputs": inputs, "cond_inputs": cond_inputs}

def reference(inputs, cond_inputs):
    # p = 'flip' -> reversed(range(in_features))
    p = jnp.arange(IN_FEATURES - 1, -1, -1, dtype=jnp.int32)
    out = jnp.take(inputs, p, axis=1)
    # Module returns (permuted_tensor, log_det_jacobian=0.0)
    return (out, 0.0)

if __name__ == "__main__":
    import jax
    _d = setup_inputs()
    print(jax.jit(kernel)(*tuple(_d.values())))

</pallas_src>

<mosaic_0001>
#map = affine_map<(d0, d1) -> (0, 0)>
module attributes {stable_mosaic.version = 14 : i64} {
  func.func @_sc_read(%arg0: i32, %arg1: i32, %arg2: memref<2097152x16xf32, #tpu.memory_space<hbm>>, %arg3: memref<2097152x16xf32, #tpu.memory_space<hbm>>, %arg4: memref<2048xi32, #tpu.memory_space<vmem>>, %arg5: memref<2048x16xf32, #tpu.memory_space<vmem>>, %arg6: memref<!tpu.dma_semaphore, #tpu.memory_space<semaphore_mem>>) attributes {dimension_semantics = [#tpu.dimension_semantics<core_parallel>, #tpu.dimension_semantics<subcore_parallel>], iteration_bounds = array<i64: 2, 16>, scalar_prefetch = 0 : i64, scratch_operands = 3 : i64, tpu.core_type = #tpu.core_type<sc_vector_subcore>, window_params = [{transform_indices = #map}, {transform_indices = #map}]} {
    %mul3A = arith.constant 2 : i32
    %mul3A_0 = arith.muli %arg1, %mul3A : i32
    %add3A = arith.addi %mul3A_0, %arg0 : i32
    %mul3A_1 = arith.constant 65536 : i32
    %mul3A_2 = arith.muli %add3A, %mul3A_1 : i32
    %iota3A = tpu.iota {dimensions = array<i32: 0>} : vector<16xi32>
    %scan3A = arith.constant 0 : i32
    %scan3A_3 = arith.constant 0 : i32
    %scan3A_4 = arith.constant 32 : i32
    %scan3A_5 = arith.addi %scan3A_3, %scan3A_4 : i32
    %scan3A_6 = arith.constant 1 : i32
    scf.for %scan3A_8 = %scan3A_3 to %scan3A_5 step %scan3A_6  : i32 {
      %mul3A_9 = arith.constant 2048 : i32
      %mul3A_10 = arith.muli %scan3A_8, %mul3A_9 : i32
      %add3A_11 = arith.addi %mul3A_2, %mul3A_10 : i32
      %parallel_loop3A = arith.constant 0 : i32
      %parallel_loop3A_12 = arith.constant 128 : i32
      %parallel_loop3A_13 = arith.constant 1 : i32
      scf.for %parallel_loop3A_18 = %parallel_loop3A to %parallel_loop3A_12 step %parallel_loop3A_13  : i32 {
        %parallel_loop3A_19 = arith.constant 16 : i32
        %parallel_loop3A_20 = arith.muli %parallel_loop3A_18, %parallel_loop3A_19 : i32
        %parallel_loop3A_21 = arith.addi %add3A_11, %parallel_loop3A_20 : i32
        %parallel_loop3A_22 = vector.broadcast %parallel_loop3A_21 : i32 to vector<16xi32>
        %parallel_loop3A_23 = arith.addi %parallel_loop3A_22, %iota3A : vector<16xi32>
        %parallel_loop3A_24 = arith.constant 16 : i32
        %parallel_loop3A_25 = arith.muli %parallel_loop3A_18, %parallel_loop3A_24 : i32
        %parallel_loop3A_26 = arith.index_cast %parallel_loop3A_25 : i32 to index
        %parallel_loop3A_27 = tpu.vector_load %arg4[%parallel_loop3A_26] {strides = array<i32>} : memref<2048xi32, #tpu.memory_space<vmem>>, vector<16xi32>,
        tpu.vector_store %arg4[%parallel_loop3A_26], %parallel_loop3A_23 {strides = array<i32>} : memref<2048xi32, #tpu.memory_space<vmem>>, vector<16xi32>,
      } {sc.loop_unroll_factor = 8 : i64, sc.parallel_access}
      %dma_start3A = arith.constant 0 : i32
      %dma_start3A_14 = arith.constant 0 : i32
      %dma_start3A_15 = tpu.memref_slice %arg2[%dma_start3A, %dma_start3A_14] : memref<2097152x16xf32, #tpu.memory_space<hbm>> -> memref<2097152x16xf32, #tpu.memory_space<hbm>>
      tpu.enqueue_indirect_dma source(%dma_start3A_15 : memref<2097152x16xf32, #tpu.memory_space<hbm>>) target(%arg5 : memref<2048x16xf32, #tpu.memory_space<vmem>>) offsets(%arg4 : memref<2048xi32, #tpu.memory_space<vmem>>) semaphore(%arg6 : memref<!tpu.dma_semaphore, #tpu.memory_space<semaphore_mem>>)
      %dma_wait3A = arith.constant 0 : i32
      %dma_wait3A_16 = arith.constant 0 : i32
      %dma_wait3A_17 = tpu.memref_slice %arg2[%dma_wait3A, %dma_wait3A_16] : memref<2097152x16xf32, #tpu.memory_space<hbm>> -> memref<2097152x16xf32, #tpu.memory_space<hbm>>
      tpu.wait_indirect_dma semaphore(%arg6 : memref<!tpu.dma_semaphore, #tpu.memory_space<semaphore_mem>>) src(%dma_wait3A_17 : memref<2097152x16xf32, #tpu.memory_space<hbm>>) dst(%arg5 : memref<2048x16xf32, #tpu.memory_space<vmem>>)
    }
    %scan3A_7 = arith.constant 32 : i32
    "tpu.region"() ({
      %run_scoped3A = tpu.sem_alloc : memref<!tpu.dma_semaphore, #tpu.memory_space<semaphore_mem>>
      %dma_start3A = arith.constant 0 : i32
      %dma_start3A_8 = tpu.memref_slice %arg3[%mul3A_2, %dma_start3A] : memref<2097152x16xf32, #tpu.memory_space<hbm>> -> memref<2048x16xf32, #tpu.memory_space<hbm>>
      %dma_start3A_9 = arith.constant 0 : i32
      %dma_start3A_10 = tpu.memref_slice %arg3[%mul3A_2, %dma_start3A_9] : memref<2097152x16xf32, #tpu.memory_space<hbm>> -> memref<2048x16xf32, #tpu.memory_space<hbm>>
      tpu.enqueue_dma source(%arg5 : memref<2048x16xf32, #tpu.memory_space<vmem>>) target(%dma_start3A_10 : memref<2048x16xf32, #tpu.memory_space<hbm>>) target_semaphore(%run_scoped3A : memref<!tpu.dma_semaphore, #tpu.memory_space<semaphore_mem>>)
      %dma_wait3A = arith.constant 0 : i32
      %dma_wait3A_11 = tpu.memref_slice %arg3[%mul3A_2, %dma_wait3A] : memref<2097152x16xf32, #tpu.memory_space<hbm>> -> memref<2048x16xf32, #tpu.memory_space<hbm>>
      %dma_wait3A_12 = arith.constant 0 : i32
      %dma_wait3A_13 = tpu.memref_slice %arg3[%mul3A_2, %dma_wait3A_12] : memref<2097152x16xf32, #tpu.memory_space<hbm>> -> memref<2048x16xf32, #tpu.memory_space<hbm>>
      tpu.wait_dma2 semaphore(%run_scoped3A : memref<!tpu.dma_semaphore, #tpu.memory_space<semaphore_mem>>) src(%arg5 : memref<2048x16xf32, #tpu.memory_space<vmem>>) dst(%dma_wait3A_13 : memref<2048x16xf32, #tpu.memory_space<hbm>>)
      tpu.yield
    }) : () -> ()
    return
  }
}

</mosaic_0001>

<sc_bundles>
// kernel: kernel.3.cloned.1.call-start
scs
__scs_entry_jumppad:
0x0: {  	(pc) =	sbr.rel $0x88, $3  }
0x1: {  	(tag) =	ssettag $0x0;
	lr =	simm.s32 $0x1  }
0x2: {  	[smem:$0x3FA0] =	sst lr;
	_ =	strace $0xD0000000  }
0x3: {  	_ = 	snop  }
0x4: {  	_ = 	snop  }
0x5: {  	_ = 	snop  }
0x6: {  	_ = 	snop  }
0x7: {  	_ = 	snop  }
__scs_overlays_trampoline_lowered:
0x8: {  	[smem:$0x3FAF] =	sst s0  }
0x9: {  	[smem:$0x3FB0] =	sst s1  }
0xa: {  	[smem:$0x3FB1] =	sst s2  }
0xb: {  	[smem:$0x3FB2] =	sst s3  }
0xc: {  	[smem:$0x3FB3] =	sst s4  }
0xd: {  	[smem:$0x3FB4] =	sst s5  }
0xe: {  	[smem:$0x3FB5] =	sst s6  }
0xf: {  	[smem:$0x3FB6] =	sst s7  }
0x10: {  	[smem:$0x3FB7] =	sst s8  }
0x11: {  	[smem:$0x3FB8] =	sst s9;
	s0 =	simm.s32 @!p0 $0x0  }
0x12: {  	s1 =	sld [smem:$0x3F9E];
	s0 =	simm.s32 @p0 $0x1  }
0x13: {  	[smem:$0x3FB9] =	sst s0;
	s0 =	simm.s32 @!p1 $0x0  }
0x14: {  	s2 =	sld [smem:$0x3F9D];
	s0 =	simm.s32 @p1 $0x1  }
0x15: {  	[smem:$0x3FBA] =	sst s0;
	s0 =	simm.s32 @!p2 $0x0  }
0x16: {  	s3 =	sld [smem:$0x3FDB];
	s0 =	simm.s32 @p2 $0x1  }
0x17: {  	s4 =	simm.s32 $0x1BF5;
	[smem:$0x3FBC] =	sst s0  }
0x18: {  	s0 =	sld [smem:$0x3F9F];
	_ =	swait.ge [sflag:s4], $0x0  }
0x19: {  	s7 =	sld [smem:$0x3FA0]  }
0x1a: {  	s8 =	sadd.s32 $0xFFFFE003, lr  }
0x1b: {  	s9 =	sadd.s32 $0xFFFFFEF7, lr;
	s5 =	simm.s32 $0xFFFFFFFF;
	p2 =	slt.u32 s8, $0xFFFFF086  }
0x1c: {  	p1 =	slt.u32 s9, $0xF7A;
	s5 =	simm.s32 @!p2 $0x0  }
0x1d: {  	s5 =	simm.s32 @p1 $0x1;
	p0 =	seq.s32 s7, s2  }
0x1e: {  	s7 =	smul.u32 @!p0 $0xF7A, s2;
	p2 =	seq.s32 @!p0 s5, $0x0  }
0x1f: {  	s9 =	smul.u32 $0xF7A, s1;
	s8 =	simm.s32 @!p0 $0x1BF5;
	p2 =	por !p2, p0  }
0x20: {  	[sflag:s8] =	ssyncset.s32 @!p0 $0xFFFFF086;
	s6 =	sadd.s32 @!p0 s3, s7;
	s7 =	simm.s32 @!p0 $0x108  }
0x21: {  	s3 =	sadd.s32 s3, s9;
	s6 =	sadd.s32 @!p0 $0x88, s6;
	s7 =	simm.s32 @p2 $0x1082  }
0x22: {  	[simem:s7], [sflag:s8] =	dma.local @!p0 [hbm:s6], $0xF7A  }
0x23: {  	s9 =	sor.u32 $0xD0000000, s2;
	s6 =	simm.s32 $0x108;
	_ =	swait.ge @!p0 [sflag:s8], $0x0  }
0x24: {  	s3 =	sadd.s32 $0x88, s3;
	s6 =	simm.s32 @!p1 $0x1082;
	[sflag:s4] =	ssyncset.s32 $0xFFFFF086  }
0x25: {  	[simem:s6], [sflag:s4] =	dma.local [hbm:s3], $0xF7A  }
0x26: {  	[smem:$0x3FA0] =	sst s1;
	(tag) =	ssettag s2;
	_ =	strace s9  }
0x27: {  	s1 =	sld [smem:$0x3FB0]  }
0x28: {  	s2 =	sld [smem:$0x3FB1]  }
0x29: {  	s4 =	sld [smem:$0x3FB3]  }
0x2a: {  	p0 =	seq.s32 s5, $0x0;
	s5 =	sld [smem:$0x3FB4]  }
0x2b: {  	s6 =	sld [smem:$0x3FB5]  }
0x2c: {  	s7 =	sld [smem:$0x3FB6]  }
0x2d: {  	s3 =	simm.s32 $0x108;
	s8 =	sld [smem:$0x3FB7]  }
0x2e: {  	s3 =	simm.s32 @!p0 $0x1082;
	s9 =	sld [smem:$0x3FB8]  }
0x2f: {  	lr =	sadd.s32 s0, s3;
	s0 =	sld [smem:$0x3FAF]  }
0x30: {  	s3 =	sld [smem:$0x3FB2]  }
0x31: {  	[smem:$0x3FBB] =	sst s10  }
0x32: {  	s10 =	sld [smem:$0x3FB9];
	_ =	sdelay $0x3  }
0x33: {  	p0 =	seq.s32 s10, $0x1;
	s10 =	sld [smem:$0x3FBB];
	_ =	sdelay $0x3  }
0x34: {  	[smem:$0x3FBB] =	sst s10  }
0x35: {  	s10 =	sld [smem:$0x3FBA];
	_ =	sdelay $0x3  }
0x36: {  	p1 =	seq.s32 s10, $0x1;
	s10 =	sld [smem:$0x3FBB];
	_ =	sdelay $0x3  }
0x37: {  	[smem:$0x3FBB] =	sst s10  }
0x38: {  	s10 =	sld [smem:$0x3FBC]  }
0x39: {  	_ = 	snop;
	(pc) =	sbr.ind lr, $3  }
0x3a: {  	_ = 	snop  }
0x3b: {  	_ = 	snop  }
0x3c: {  	p2 =	seq.s32 s10, $0x1;
	s10 =	sld [smem:$0x3FBB]  }
0x3d: {  	_ =	shalt  }
0x3e: {  	_ =	shalt  }
0x3f: {  	_ =	shalt  }
0x40: {  	_ =	shalt  }
0x41: {  	_ =	shalt  }
0x42: {  	_ =	shalt  }
0x43: {  	_ =	shalt  }
0x44: {  	_ =	shalt  }
0x45: {  	_ =	shalt  }
0x46: {  	_ =	shalt  }
0x47: {  	_ =	shalt  }
0x48: {  	_ =	shalt  }
0x49: {  	_ =	shalt  }
0x4a: {  	_ =	shalt  }
0x4b: {  	_ =	shalt  }
0x4c: {  	_ =	shalt  }
0x4d: {  	_ =	shalt  }
0x4e: {  	_ =	shalt  }
0x4f: {  	_ =	shalt  }
0x50: {  	_ =	shalt  }
0x51: {  	_ =	shalt  }
0x52: {  	_ =	shalt  }
0x53: {  	_ =	shalt  }
0x54: {  	_ =	shalt  }
0x55: {  	_ =	shalt  }
0x56: {  	_ =	shalt  }
0x57: {  	_ =	shalt  }
0x58: {  	_ =	shalt  }
0x59: {  	_ =	shalt  }
0x5a: {  	_ =	shalt  }
0x5b: {  	_ =	shalt  }
0x5c: {  	_ =	shalt  }
0x5d: {  	_ =	shalt  }
0x5e: {  	_ =	shalt  }
0x5f: {  	_ =	shalt  }
0x60: {  	_ =	shalt  }
0x61: {  	_ =	shalt  }
0x62: {  	_ =	shalt  }
0x63: {  	_ =	shalt  }
0x64: {  	_ =	shalt  }
0x65: {  	_ =	shalt  }
0x66: {  	_ =	shalt  }
0x67: {  	_ =	shalt  }
0x68: {  	_ =	shalt  }
0x69: {  	_ =	shalt  }
0x6a: {  	_ =	shalt  }
0x6b: {  	_ =	shalt  }
0x6c: {  	_ =	shalt  }
0x6d: {  	_ =	shalt  }
0x6e: {  	_ =	shalt  }
0x6f: {  	_ =	shalt  }
0x70: {  	_ =	shalt  }
0x71: {  	_ =	shalt  }
0x72: {  	_ =	shalt  }
0x73: {  	_ =	shalt  }
0x74: {  	_ =	shalt  }
0x75: {  	_ =	shalt  }
0x76: {  	_ =	shalt  }
0x77: {  	_ =	shalt  }
0x78: {  	_ =	shalt  }
0x79: {  	_ =	shalt  }
0x7a: {  	_ =	shalt  }
0x7b: {  	_ =	shalt  }
0x7c: {  	_ =	shalt  }
0x7d: {  	_ =	shalt  }
0x7e: {  	_ =	shalt  }
0x7f: {  	_ =	shalt  }
0x80: {  	_ =	shalt  }
0x81: {  	_ =	shalt  }
0x82: {  	_ =	shalt  }
0x83: {  	_ =	shalt  }
0x84: {  	_ =	shalt  }
0x85: {  	_ =	shalt  }
0x86: {  	_ =	shalt  }
0x87: {  	_ =	shalt  }
.Lfunc_end0:
.L_simem_size_0:
called_computation.1_lowered:
.L_overlay_start_0:
0x88: {  	s2 =	sld [smem:$0x3FD9]  }
0x89: {  	s3 =	sld [smem:$0x3FFE];
	_ =	sdelay $0x1  }
0x8a: {  	s1 =	srdreg.scid  }
0x8b: {  	s0 =	sand.u32 $0x1, s1  }
0x8c: {  	s14 =	sshll.u32 s0, $0xA;
	s2 =	sadd.s32 s3, s2  }
0x8d: {  	s2 =	sadd.s32 s2, s14  }
0x8e: {  	[smem:$0x3FC7] =	sst s2  }
0x8f: {  	_ = 	snop  }
0x90: {  	s2 =	sld [smem:$0x3FD0];
	_ =	sdelay $0x2  }
0x91: {  	s15 =	simm.s32 $0xA;
	s4 =	simm.s32 $0x10  }
0x92: {  	[smem:s4], [sflag:s15] =	dma.local [hbm:s2], $0x1  }
0x93: {  	_ =	swait.eq [sflag:s15], $0x1  }
0x94: {  	[sflag:s15] =	ssyncset.done $0x0  }
0x95: {  	[sflag:s15] =	ssyncadd.s32 $0xFFFFFFFF  }
0x96: {  	s16 =	sld [smem:$0x10];
	(tm) =	ssettm $0x1  }
0x97: {  	s17 =	sld [smem:$0x3FFB];
	_ =	sdelay $0x3  }
0x98: {  	_ =	strace s17  }
0x99: {  	s3 =	sld [smem:$0x3FFC];
	_ =	sdelay $0x3  }
0x9a: {  	_ =	strace s3  }
0x9b: {  	s3 =	sld [smem:$0x3FFD];
	_ =	sdelay $0x3  }
0x9c: {  	_ =	strace s3  }
0x9d: {  	_ =	strace $0x8FFFFFFF  }
0x9e: {  	s18 =	sld [smem:$0x3FDB];
	_ =	sdelay $0x1  }
0x9f: {  	s19 =	simm.s32 $_scs_section_size  }
0xa0: {  	s5 =	simm.s32 $_size__tile_overlayer_lowered;
	s6 =	simm.s32 $_tile_overlayer_lowered  }
0xa1: {  	s22 =	simm.s32 $0x1BFF;
	s21 =	sshll.u32 s6, $0x1;
	s3 =	sadd.s32 s19, s18  }
0xa2: {  	s7 =	simm.s32 $0x0;
	s20 =	sshll.u32 s5, $0x1;
	s5 =	sadd.s32 s21, s3  }
0xa3: {  	[timem:s7], [sflag:s22] =	dma.local [hbm:s5], s20  }
0xa4: {  	_ =	swait.ge [sflag:s22], s20  }
0xa5: {  	s4 =	ssub.s32 $0x0, s20;
	[sflag:s22] =	ssyncset.done $0x0  }
0xa6: {  	[sflag:s22] =	ssyncadd.s32 s4;
	_ =	sdelay $0x1  }
0xa7: {  	s23 =	simm.s32 $0x1B8B  }
0xa8: {  	_ =	swait.ge [sflag:s23], $0x1  }
0xa9: {  	[sflag:s23] =	ssyncset.done $0x0  }
0xaa: {  	s25 =	simm.s32 $0x1B8E;
	s24 =	sld [smem:$0x3FFE];
	[sflag:s23] =	ssyncadd.s32 $0xFFFFFFFF  }
0xab: {  	s26 =	simm.s32 $execute0_lowered;
	[smem:$0x3FD2] =	sst s25  }
0xac: {  	s5 =	sshll.u32 s26, $0x1;
	_ =	strace $0x80000049;
	[dreg:$0x1] =	wrdreg $0xFFFFFFFF  }
0xad: {  	s28 =	simm.s32 $_size_execute0_lowered;
	s3 =	sadd.s32 s3, s5;
	[dreg:$0x0] =	wrdreg $0x0  }
0xae: {  	s5 =	sshll.u32 s28, $0x1;
	[dreg:$0x2] =	wrdreg s3  }
0xaf: {  	[dreg:$0x3] =	wrdreg s5  }
0xb0: {  	[dreg:$0x4] =	wrdreg $0xC0  }
0xb1: {  	_ =	task [dreg:s7], $0x5FFFF  }
0xb2: {  	[dreg:$0x1] =	wrdreg $0xFFFFFFFF  }
0xb3: {  	[dreg:$0x0] =	wrdreg $0x60  }
0xb4: {  	[dreg:$0x2] =	wrdreg s16  }
0xb5: {  	[dreg:$0x3] =	wrdreg s24  }
0xb6: {  	[dreg:$0x4] =	wrdreg $0x9  }
0xb7: {  	_ =	task.clear_ibuf [dreg:s7], $0x5FFFF;
	_ =	strace $0x90000049  }
0xb8: {  	s29 =	simm.s32 $0x9;
	_ =	strace $0x8000004B  }
0xb9: {  	_ =	swait.ge [sflag:s29], $0x1  }
0xba: {  	[sflag:s29] =	ssyncadd.s32 $0xFFFFFFFF  }
0xbb: {  	_ =	strace $0x9000004B  }
0xbc: {  	_ =	sfence  }
0xbd: {  	s30 =	sld [smem:$0x0];
	_ =	sdelay $0x2  }
0xbe: {  	s31 =	sshll.u32 s1, $0xD;
	s1 =	sshrl.u32 s1, $0x2  }
0xbf: {  	s3 =	sand.u32 $0x4000, s31;
	s1 =	sadd.s32 s1, s30  }
0xc0: {  	s0 =	sor.u32 s3, s0;
	s1 =	sshll.u32 s1, $0x11  }
0xc1: {  	s0 =	sor.u32 s1, s0  }
0xc2: {  	s0 =	sadd.s32 $0x8F2B, s0  }
0xc3: {  	[sflag:s0] =	ssyncadd.remote.s32 $0x1  }
0xc4: {  	_ =	sfence.sel $0xFFFF  }
0xc5: {  	[dreg:$0x0] =	wrdreg $0xFFFFFFFF;
	(pc) =	sbr.abs _section_cstart, $3  }
0xc6: {  	[dreg:$0x1] =	wrdreg $0xFFFFFFFF  }
0xc7: {  	_ =	task.clear_ibuf [dreg:s7], $0x2FFFF;
	_ =	strace $0x9FFFFFFF  }
0xc8: {  	(tm) =	ssettm $0x7FFFFFFF  }
0xc9: {  	_ =	shalt  }
tec
execute0_lowered:
.L_overlay_start_1:
0x0: {  	(tag) =	ssettag $0x1  }
0x1: {  	s1 =	srdreg.scid  }
0x2: {  	s2 =	rddreg [dreg:$0x0];
	s0 =	stileid.u32  }
0x3: {  	s5 =	rddreg [dreg:$0x1];
	s8 =	simm.s32 $0x1;
	s9 =	simm.s32 $0x2  }
0x4: {  	s10 =	simm.s32 $0x0;
	s4 =	sand.u32 $0x1, s1;
	s3 =	sshll.u32 s0, $0x11  }
0x5: {  	s1 =	rddreg [dreg:$0x2];
	s6 =	sshll.u32 s4, $0x10;
	s4 =	ssub.s32 $0x2, s4  }
0x6: {  	s6 =	sor.u32 s6, s3;
	s3 =	simm.s32 $0x0;
	s31 =	sshrl.u32 s4, $0x1  }
0x7: {  	s7 =	sshll.u32 s6, $0x1;
	[smem:$0x7FF] =	sst s3;
	s6 =	sor.u32 $0x70, s6  }
0x8: {  	s5 =	sadd.s32 s7, s5;
	_ =	strace $0x8000004A;
	s7 =	ssub.s32 s4, s31  }
0x9: {  	v0 =	vlaneseq.u32;
	s4 =	sadd.s32 $0x800, s5;
	s5 =	smax.u32 s7, $0x1;
	s7 =	simm.s32 $0x800  }
.LBB2_1:
0xa: {  	s11 =	smov.u32 s6;
	s12 =	simm.s32 $0x0  }
.LBB2_2:
0xb: {  	s14 =	sadd.s32 $0xFFFFFFF0, s11  }
0xc: {  	s13 =	simm.s32 $0x40;
	s15 =	sadd.s32 $0xFFFFFFA0, s11;
	v1 =	vor.u32 s14, v0  }
0xd: {  	s30 =	sadd.s32 $0xFFFFFFD0, s11;
	v2 =	vor.u32 s15, v0;
	[tilespmem:s13+$0x20] =	vst v1  }
0xe: {  	s26 =	sadd.s32 $0xFFFFFFB0, s11;
	v3 =	vor.u32 s30, v0;
	[tilespmem:s13+$0xFFFFFFD0] =	vst v2  }
0xf: {  	s28 =	sadd.s32 $0xFFFFFF90, s11;
	v1 =	vor.u32 s26, v0;
	[tilespmem:s13+$0x0] =	vst v3  }
0x10: {  	s29 =	sadd.s32 $0xFFFFFFC0, s11;
	v2 =	vor.u32 s28, v0;
	[tilespmem:s13+$0xFFFFFFE0] =	vst v1  }
0x11: {  	s31 =	sadd.s32 $0xFFFFFFE0, s11;
	v1 =	vor.u32 s29, v0;
	[tilespmem:s13+$0xFFFFFFC0] =	vst v2  }
0x12: {  	s14 =	simm.s32 $0x0;
	s15 =	sadd.s32 $0x80, s11;
	v2 =	vor.u32 s31, v0;
	[tilespmem:s13+$0xFFFFFFF0] =	vst v1;
	v1 =	vor.u32 s11, v0  }
.LBB2_3:
0x13: {  	s16 =	sadd.s32 $0xFFFFFFA0, s15;
	s17 =	sadd.s32 $0xFFFFFFF0, s15;
	v3 =	vor.u32 s15, v0;
	s14 =	sadd.s32 $0x8, s14;
	[tilespmem:s13+$0x10] =	vst v2  }
0x14: {  	v2 =	vor.u32 s16, v0;
	s16 =	sadd.s32 $0xFFFFFFB0, s15;
	v4 =	vor.u32 s17, v0;
	p0 =	slt.u32 s14, $0x78;
	[tilespmem:s13+$0x30] =	vst v1;
	s13 =	sadd.s32 $0x80, s13;
	v1 =	vmov v3  }
0x15: {  	s18 =	sadd.s32 $0xFFFFFFE0, s15;
	s17 =	sadd.s32 $0xFFFFFFD0, s15;
	v3 =	vor.u32 s16, v0;
	s16 =	sadd.s32 $0xFFFFFFC0, s15;
	[tilespmem:s13+$0x20] =	vst v4  }
.Ltmp0:
0x16: {  	s19 =	sadd.s32 $0xFFFFFF90, s15;
	v5 =	vor.u32 s17, v0;
	[tilespmem:s13+$0xFFFFFFD0] =	vst v2;
	v4 =	vor.u32 s16, v0;
	v2 =	vor.u32 s18, v0;
	(pc) =	sbr.rel @p0 .LBB2_3-.Ltmp0, $4  }
0x17: {  	v6 =	vor.u32 s19, v0;
	[tilespmem:s13+$0xFFFFFFE0] =	vst v3  }
0x18: {  	[tilespmem:s13+$0xFFFFFFC0] =	vst v6  }
0x19: {  	[tilespmem:s13+$0xFFFFFFF0] =	vst v4  }
0x1a: {  	s15 =	sadd.s32 $0x80, s15;
	[tilespmem:s13+$0x0] =	vst v5  }
0x1b: {  	s12 =	sadd.s32 $0x1, s12  }
0x1c: {  	[tilespmem:s13+$0x10] =	vst v2;
	p0 =	sne.s32 s12, $0x20  }
.Ltmp1:
0x1d: {  	[tilespmem:s13+$0x30] =	vst v1;
	(pc) =	sbr.rel @p0 .LBB2_2-.Ltmp1, $4  }
0x1e: {  	[tilespmem:s7], [sflag:$0x1] =	stream.indirect.gather [hbm4b:s2+s7], $0x10, s3, s7, $0xb8;
	[tilespmem:$0x8800] =	vst v63  }
0x1f: {  	_ =	swait.ge [sflag:s8], $0x8000  }
0x20: {  	[sflag:s8] =	ssyncset.done $0x0  }
0x21: {  	s11 =	sadd.s32 $0x800, s11;
	[sflag:s8] =	ssyncadd.s32 $0xFFFF8000  }
0x22: {  	s10 =	sadd.s32 $0x1, s10  }
0x23: {  	p0 =	sne.s32 s10, s5  }
.Ltmp2:
0x24: {  	_ = 	snop;
	(pc) =	sbr.rel @p0 .LBB2_1-.Ltmp2, $4  }
0x25: {  	[hbm4b:s4+s3] =	stream.linear.scatter [tilespmem:s7], [sflag:$0x2], $0x8000, $0x38;
	[tilespmem:$0x8800] =	vst v63  }
0x26: {  	_ =	swait.ge [sflag:s9], $0x8000  }
0x27: {  	[sflag:s9] =	ssyncset.done $0x0  }
0x28: {  	[sflag:s9] =	ssyncadd.s32 $0xFFFF8000  }
0x29: {  	_ =	sfence.sel $0x180000  }
0x2a: {  	[bflag:$0x0] =	sbarrier.arrive $0xFFFF  }
0x2b: {  	p0 =	sne.s32 s0, $0x0;
	_ =	strace $0x9000004A  }
0x2c: {  	s0 =	sadd.s32 @!p0 $0x100000, s1;
	[bflag:$0x2] =	sbarrier.arrive $0xFFFF  }
0x2d: {  	[sflag:s0] =	ssyncadd.tile.s32 @!p0 $0x1;
	_ =	shalt  }
.Lfunc_end2:
_tile_overlayer_lowered:
.L_overlay_start_2:
0x2e: {  	(tag) =	ssettag $0x2  }
0x2f: {  	s0 =	rddreg [dreg:$0x0];
	s2 =	stileid.u32  }
0x30: {  	s1 =	rddreg [dreg:$0x1];
	p0 =	sne.s32 s2, $0x0  }
0x31: {  	s3 =	rddreg [dreg:$0x2];
	[bflag:$0x3] =	sbarrier.arrive $0xFFFF;
	s2 =	simm.s32 @!p0 $0x1C02  }
0x32: {  	[timem:s3], [sflag:s2] =	dma.local @!p0 [hbm:s0], s1  }
0x33: {  	s0 =	simm.s32 @!p0 $0x2  }
0x34: {  	_ =	swait.ge @!p0 [sflag:s0], s1  }
0x35: {  	s1 =	ssub.s32 @!p0 $0x0, s1;
	[sflag:s0] =	ssyncset.done @!p0 $0x0  }
0x36: {  	[sflag:s0] =	ssyncadd.s32 @!p0 s1  }
0x37: {  	[bflag:$0x3] =	sbarrier.arrive $0xFFFF  }
0x38: {  	_ =	shalt  }

// kernel: sparse-core-data-format-call.cloned.1.call-start
scs
called_computation_lowered:
.L_overlay_start_0:
0x0: {  	s2 =	sld [smem:$0x3FD9]  }
0x1: {  	s3 =	sld [smem:$0x3FFE];
	_ =	sdelay $0x1  }
0x2: {  	s1 =	srdreg.scid  }
0x3: {  	s0 =	sand.u32 $0x1, s1  }
0x4: {  	s16 =	sshll.u32 s0, $0xA;
	s2 =	sadd.s32 s3, s2  }
0x5: {  	s2 =	sadd.s32 s2, s16  }
0x6: {  	[smem:$0x3FC7] =	sst s2  }
0x7: {  	_ = 	snop  }
0x8: {  	s2 =	sld [smem:$0x3FD0];
	_ =	sdelay $0x2  }
0x9: {  	s4 =	simm.s32 $0xA;
	s5 =	simm.s32 $0x10;
	s17 =	sld [smem:$0x3FC9]  }
0xa: {  	[smem:s5], [sflag:s4] =	dma.local [hbm:s2], $0x1  }
0xb: {  	_ =	swait.eq [sflag:s4], $0x1  }
0xc: {  	[sflag:s4] =	ssyncset.done $0x0  }
0xd: {  	[sflag:s4] =	ssyncadd.s32 $0xFFFFFFFF  }
0xe: {  	s18 =	sld [smem:$0x10];
	(tm) =	ssettm $0x1  }
0xf: {  	s19 =	sld [smem:$0x3FFB];
	_ =	sdelay $0x3  }
0x10: {  	_ =	strace s19  }
0x11: {  	s4 =	sld [smem:$0x3FFC];
	_ =	sdelay $0x3  }
0x12: {  	_ =	strace s4  }
0x13: {  	s4 =	sld [smem:$0x3FFD];
	_ =	sdelay $0x3  }
0x14: {  	_ =	strace s4  }
0x15: {  	_ =	strace $0x8FFFFFFF  }
0x16: {  	s20 =	sld [smem:$0x3FDB];
	_ =	sdelay $0x1  }
0x17: {  	s21 =	simm.s32 $_scs_section_size  }
0x18: {  	s6 =	simm.s32 $_size__tile_overlayer_lowered;
	s7 =	simm.s32 $_tile_overlayer_lowered  }
0x19: {  	s24 =	simm.s32 $0x1BFF;
	s23 =	sshll.u32 s7, $0x1;
	s4 =	sadd.s32 s21, s20  }
0x1a: {  	s8 =	simm.s32 $0x0;
	s22 =	sshll.u32 s6, $0x1;
	s6 =	sadd.s32 s23, s4  }
0x1b: {  	[timem:s8], [sflag:s24] =	dma.local [hbm:s6], s22  }
0x1c: {  	_ =	swait.ge [sflag:s24], s22  }
0x1d: {  	s5 =	ssub.s32 $0x0, s22;
	[sflag:s24] =	ssyncset.done $0x0  }
0x1e: {  	[sflag:s24] =	ssyncadd.s32 s5;
	_ =	sdelay $0x1  }
0x1f: {  	s25 =	simm.s32 $0x1B8B  }
0x20: {  	_ =	swait.ge [sflag:s25], $0x1  }
0x21: {  	[sflag:s25] =	ssyncset.done $0x0  }
0x22: {  	s26 =	simm.s32 $0x1B8E;
	[sflag:s25] =	ssyncadd.s32 $0xFFFFFFFF  }
0x23: {  	s27 =	simm.s32 $execute0_lowered;
	[smem:$0x3FD2] =	sst s26  }
0x24: {  	s5 =	sshll.u32 s27, $0x1;
	_ =	strace $0x80000046;
	[dreg:$0x1] =	wrdreg $0xFFFFFFFF  }
0x25: {  	s28 =	simm.s32 $_size_execute0_lowered;
	s4 =	sadd.s32 s4, s5;
	[dreg:$0x0] =	wrdreg $0x0  }
0x26: {  	s5 =	sshll.u32 s28, $0x1;
	[dreg:$0x2] =	wrdreg s4  }
0x27: {  	[dreg:$0x3] =	wrdreg s5  }
0x28: {  	[dreg:$0x4] =	wrdreg $0xC0  }
0x29: {  	_ =	task [dreg:s8], $0x5FFFF  }
0x2a: {  	[dreg:$0x1] =	wrdreg $0xFFFFFFFF  }
0x2b: {  	[dreg:$0x0] =	wrdreg $0x60  }
0x2c: {  	[dreg:$0x2] =	wrdreg s17  }
0x2d: {  	[dreg:$0x3] =	wrdreg s18  }
0x2e: {  	[dreg:$0x4] =	wrdreg $0x9  }
0x2f: {  	_ =	task.clear_ibuf [dreg:s8], $0x5FFFF;
	_ =	strace $0x90000046  }
0x30: {  	s29 =	simm.s32 $0x9;
	_ =	strace $0x80000048  }
0x31: {  	_ =	swait.ge [sflag:s29], $0x1  }
0x32: {  	[sflag:s29] =	ssyncadd.s32 $0xFFFFFFFF  }
0x33: {  	_ =	strace $0x90000048  }
0x34: {  	_ =	sfence  }
0x35: {  	s30 =	sld [smem:$0x0];
	_ =	sdelay $0x2  }
0x36: {  	s31 =	sshll.u32 s1, $0xD;
	s1 =	sshrl.u32 s1, $0x2  }
0x37: {  	s3 =	sand.u32 $0x4000, s31;
	s1 =	sadd.s32 s1, s30  }
0x38: {  	s0 =	sor.u32 s3, s0;
	s1 =	sshll.u32 s1, $0x11  }
0x39: {  	s0 =	sor.u32 s1, s0  }
0x3a: {  	s0 =	sadd.s32 $0x8F2B, s0  }
0x3b: {  	[sflag:s0] =	ssyncadd.remote.s32 $0x1  }
0x3c: {  	_ =	sfence.sel $0xFFFF  }
0x3d: {  	[dreg:$0x0] =	wrdreg $0xFFFFFFFF;
	(pc) =	sbr.abs _section_cstart, $3  }
0x3e: {  	[dreg:$0x1] =	wrdreg $0xFFFFFFFF  }
0x3f: {  	_ =	task.clear_ibuf [dreg:s8], $0x2FFFF;
	_ =	strace $0x9FFFFFFF  }
0x40: {  	(tm) =	ssettm $0x7FFFFFFF  }
0x41: {  	_ =	shalt  }
tec
execute0_lowered:
.L_overlay_start_1:
0x0: {  	(tag) =	ssettag $0x1  }
0x1: {  	s2 =	rddreg [dreg:$0x0]  }
0x2: {  	s3 =	rddreg [dreg:$0x1]  }
0x3: {  	s0 =	rddreg [dreg:$0x2];
	s4 =	srdreg.scid  }
.Ltmp0:
0x4: {  	_ =	strace $0x80000047;
	s1 =	stileid.u32;
	(pc) =	sbr.rel .LBB1_1-.Ltmp0, $4  }
0x5: {  	s6 =	simm.s32 $0x2;
	p0 =	por $0x0, $0x0;
	s5 =	sshll.u32 s4, $0x4  }
0x6: {  	s9 =	simm.s32 $0x0;
	s4 =	simm.s32 $0x1;
	s5 =	sand.u32 $0x10, s5  }
0x7: {  	s7 =	simm.s32 $0x0;
	[sflag:s4] =	ssyncpa.u1 $0x0;
	s5 =	sor.u32 s1, s5  }
0x8: {  	[sflag:s6] =	ssyncpa.u1 $0x0;
	s6 =	simm.s32 $0x0;
	s8 =	smov.u32 s5  }
.LBB1_7:
0x9: {  	s11 =	sadd.s32 $0x20, s8  }
0xa: {  	p1 =	slt.u32 s7, $0x2;
	s7 =	sadd.s32 $0x1, s7;
	p2 =	sgt.s32 s11, $0x7FF  }
0xb: {  	s11 =	smov.u32 @p2 s5;
	p2 =	sne.s32 s7, $0x42  }
.Ltmp1:
0xc: {  	_ = 	snop;
	(pc) =	sbr.rel @!p2 .LBB1_8-.Ltmp1, $4  }
0xd: {  	s10 =	simm.s32 @!p1 $0x2  }
0xe: {  	_ =	swait.ge @!p1 [sflag:s10], $0x4000  }
0xf: {  	s9 =	smov.u32 s8;
	[sflag:s10] =	ssyncset.done @!p1 $0x0  }
0x10: {  	p0 =	por !p0, !p0;
	s8 =	smov.u32 s11;
	[sflag:s10] =	ssyncadd.s32 @!p1 $0xFFFFC000  }
.LBB1_1:
0x11: {  	p1 =	sgt.u32 s7, $0x3F  }
0x12: {  	s10 =	sxor.u32 @!p1 $0xFFFFFFFF, s7  }
0x13: {  	s11 =	sshll.u32 @!p1 s8, $0xB;
	s10 =	sshll.u32 @!p1 s10, $0xE  }
0x14: {  	s12 =	simm.s32 @!p1 $0x0;
	s11 =	sadd.s32 @!p1 s2, s11;
	s10 =	sand.u32 @!p1 $0x4000, s10  }
0x15: {  	[tilespmem:s10], [sflag:$0x1] =	stream.linear.gather @!p1 [hbm4b:s11+s12], $0x4000, $0x38;
	[tilespmem:$0x10000] =	vst v63  }
0x16: {  	p1 =	seq.s32 s7, $0x0  }
0x17: {  	p2 =	seq.s32 @!p1 s7, $0x41  }
0x18: {  	p1 =	por p1, p2  }
.Ltmp2:
0x19: {  	_ = 	snop;
	(pc) =	sbr.rel @p1 .LBB1_7-.Ltmp2, $1  }
0x1a: {  	_ =	sdelay $0x3  }
0x1b: {  	s10 =	simm.s32 $0x1;
	_ =	swait.ge [sflag:s4], $0x4000;
	s12 =	sshll.u32 s7, $0xE  }
0x1c: {  	s13 =	simm.s32 $0x0;
	s10 =	simm.s32 @!p0 $0x0;
	[sflag:s4] =	ssyncset.done $0x0  }
0x1d: {  	s12 =	sand.u32 $0x4000, s12;
	s11 =	sshll.u32 s10, $0xE;
	[sflag:s4] =	ssyncadd.s32 $0xFFFFC000  }
0x1e: {  	s12 =	sor.u32 $0x8000, s12;
	s10 =	sor.u32 $0x8040, s11;
	s11 =	sor.u32 $0x40, s11  }
.LBB1_3:
0x1f: {  	v0 =	vmov s11;
	_ =	sdelay $0x3  }
0x20: {  	s15 =	simm.s32 $0x0  }
0x21: {  	v6 =	vld.idx.msk [tilespmem:v0+s15+$0x30 ss:$0x1], $0xffff  }
0x22: {  	v7 =	vld.idx.msk [tilespmem:v0+s15+$0xFFFFFFC0 ss:$0x1], $0xffff  }
0x23: {  	v5 =	vld.idx.msk [tilespmem:v0+s15+$0xFFFFFFD0 ss:$0x1], $0xffff  }
0x24: {  	v4 =	vld.idx.msk [tilespmem:v0+s15+$0xFFFFFFE0 ss:$0x1], $0xffff  }
0x25: {  	v3 =	vld.idx.msk [tilespmem:v0+s15+$0xFFFFFFF0 ss:$0x1], $0xffff  }
0x26: {  	v1 =	vld.idx.msk [tilespmem:v0+s15+$0x0 ss:$0x1], $0xffff  }
0x27: {  	v2 =	vld.idx.msk [tilespmem:v0+s15+$0x10 ss:$0x1], $0xffff;
	[tilespmem:s10+$0x30] =	vst v6  }
0x28: {  	s14 =	simm.s32 $0x80;
	s16 =	simm.s32 $0x400;
	[tilespmem:s10+$0xFFFFFFC0] =	vst v7;
	v6 =	vld.idx.msk [tilespmem:v0+s15+$0x20 ss:$0x1], $0xffff;
	s15 =	smov.u32 s10  }
.LBB1_4:
0x29: {  	p1 =	sne.s32 s16, $0xE00;
	v7 =	vld.idx.msk [tilespmem:v0+s14+$0x30 ss:$0x1], $0xffff;
	[tilespmem:s15+$0xFFFFFFD0] =	vst v5  }
0x2a: {  	v8 =	vld.idx.msk [tilespmem:v0+s14+$0xFFFFFFC0 ss:$0x1], $0xffff;
	[tilespmem:s15+$0xFFFFFFE0] =	vst v4  }
0x2b: {  	v5 =	vld.idx.msk [tilespmem:v0+s14+$0xFFFFFFD0 ss:$0x1], $0xffff;
	[tilespmem:s15+$0xFFFFFFF0] =	vst v3  }
.Ltmp3:
0x2c: {  	v4 =	vld.idx.msk [tilespmem:v0+s14+$0xFFFFFFE0 ss:$0x1], $0xffff;
	[tilespmem:s15+$0x0] =	vst v1;
	(pc) =	sbr.rel @p1 .LBB1_4-.Ltmp3, $4  }
0x2d: {  	v3 =	vld.idx.msk [tilespmem:v0+s14+$0xFFFFFFF0 ss:$0x1], $0xffff;
	[tilespmem:s15+$0x10] =	vst v2  }
0x2e: {  	v1 =	vld.idx.msk [tilespmem:v0+s14+$0x0 ss:$0x1], $0xffff;
	[tilespmem:s15+$0x20] =	vst v6;
	s15 =	sadd.s32 $0x800, s15  }
0x2f: {  	v2 =	vld.idx.msk [tilespmem:v0+s14+$0x10 ss:$0x1], $0xffff;
	[tilespmem:s15+$0x30] =	vst v7  }
0x30: {  	[tilespmem:s15+$0xFFFFFFC0] =	vst v8;
	v6 =	vld.idx.msk [tilespmem:v0+s14+$0x20 ss:$0x1], $0xffff;
	s14 =	sshra.s32 s16, $0x2;
	s16 =	sadd.s32 $0x200, s16  }
0x31: {  	_ =	sdelay $0x2  }
0x32: {  	[tilespmem:s15+$0xFFFFFFD0] =	vst v5  }
0x33: {  	v56 =	vld.idx.msk [tilespmem:v0+s14+$0x30 ss:$0x1], $0xffff;
	[tilespmem:s15+$0xFFFFFFE0] =	vst v4  }
0x34: {  	v57 =	vld.idx.msk [tilespmem:v0+s14+$0xFFFFFFC0 ss:$0x1], $0xffff;
	[tilespmem:s15+$0xFFFFFFF0] =	vst v3  }
0x35: {  	v58 =	vld.idx.msk [tilespmem:v0+s14+$0xFFFFFFD0 ss:$0x1], $0xffff;
	[tilespmem:s15+$0x0] =	vst v1  }
0x36: {  	v59 =	vld.idx.msk [tilespmem:v0+s14+$0xFFFFFFE0 ss:$0x1], $0xffff;
	[tilespmem:s15+$0x10] =	vst v2  }
0x37: {  	v60 =	vld.idx.msk [tilespmem:v0+s14+$0xFFFFFFF0 ss:$0x1], $0xffff;
	s31 =	sadd.s32 $0x800, s15;
	[tilespmem:s15+$0x20] =	vst v6  }
0x38: {  	v61 =	vld.idx.msk [tilespmem:v0+s14+$0x0 ss:$0x1], $0xffff;
	[tilespmem:s31+$0x30] =	vst v56  }
0x39: {  	v62 =	vld.idx.msk [tilespmem:v0+s14+$0x10 ss:$0x1], $0xffff;
	s13 =	sadd.s32 $0x1, s13;
	[tilespmem:s31+$0xFFFFFFC0] =	vst v57  }
0x3a: {  	v63 =	vld.idx.msk [tilespmem:v0+s14+$0x20 ss:$0x1], $0xffff;
	p1 =	sne.s32 s13, $0x10;
	[tilespmem:s31+$0xFFFFFFD0] =	vst v58  }
.Ltmp4:
0x3b: {  	[tilespmem:s31+$0xFFFFFFE0] =	vst v59;
	(pc) =	sbr.rel @p1 .LBB1_3-.Ltmp4, $4  }
0x3c: {  	[tilespmem:s31+$0xFFFFFFF0] =	vst v60  }
0x3d: {  	[tilespmem:s31+$0x0] =	vst v61  }
0x3e: {  	[tilespmem:s31+$0x10] =	vst v62  }
0x3f: {  	s10 =	sadd.s32 $0x80, s10;
	s11 =	sadd.s32 $0x400, s11;
	[tilespmem:s31+$0x20] =	vst v63  }
.Ltmp5:
0x40: {  	(pc) =	sbr.rel .LBB1_7-.Ltmp5, $4  }
0x41: {  	_ = 	snop  }
0x42: {  	s9 =	sshll.u32 s9, $0xB  }
0x43: {  	s9 =	sadd.s32 s3, s9  }
0x44: {  	[hbm4b:s9+s6] =	stream.linear.scatter [tilespmem:s12], [sflag:$0x2], $0x4000, $0x38;
	[tilespmem:$0x10000] =	vst v63  }
.LBB1_8:
0x45: {  	_ =	sfence.sel $0x180000  }
0x46: {  	s2 =	simm.s32 $0x1;
	[bflag:$0x0] =	sbarrier.arrive $0xFFFF  }
0x47: {  	s31 =	simm.s32 $0x2;
	[sflag:s2] =	ssyncpa.u1 $0x1  }
0x48: {  	[sflag:s31] =	ssyncpa.u1 $0x1  }
0x49: {  	p0 =	sne.s32 s1, $0x0;
	_ =	strace $0x90000047  }
0x4a: {  	s0 =	sadd.s32 @!p0 $0x100000, s0;
	[bflag:$0x2] =	sbarrier.arrive $0xFFFF  }
0x4b: {  	[sflag:s0] =	ssyncadd.tile.s32 @!p0 $0x1;
	_ =	shalt  }
.Lfunc_end1:
_tile_overlayer_lowered:
.L_overlay_start_2:
0x4c: {  	(tag) =	ssettag $0x2  }
0x4d: {  	s0 =	rddreg [dreg:$0x0];
	s2 =	stileid.u32  }
0x4e: {  	s1 =	rddreg [dreg:$0x1];
	p0 =	sne.s32 s2, $0x0  }
0x4f: {  	s3 =	rddreg [dreg:$0x2];
	[bflag:$0x3] =	sbarrier.arrive $0xFFFF;
	s2 =	simm.s32 @!p0 $0x1C01  }
0x50: {  	[timem:s3], [sflag:s2] =	dma.local @!p0 [hbm:s0], s1  }
0x51: {  	s0 =	simm.s32 @!p0 $0x1  }
0x52: {  	_ =	swait.ge @!p0 [sflag:s0], s1  }
0x53: {  	s1 =	ssub.s32 @!p0 $0x0, s1;
	[sflag:s0] =	ssyncset.done @!p0 $0x0  }
0x54: {  	[sflag:s0] =	ssyncadd.s32 @!p0 s1  }
0x55: {  	[bflag:$0x3] =	sbarrier.arrive $0xFFFF  }
0x56: {  	_ =	shalt  }

</sc_bundles>
